<compile_context>
chip_gen: v7x
topology: tpu7x:2x2x1
jax: 0.10.2.dev20260603
libtpu: 0.0.44.dev20260713+nightly
codegen_flags: <defaults>
</compile_context>

<pallas_src>
import functools

import jax
import jax.numpy as jnp
from jax import lax
from jax.experimental import pallas as pl
from jax.experimental.pallas import tpu as pltpu
from jax.experimental.pallas import tpu_sc as plsc

V = 1000
BT = 51200
NC, NS, L = 2, 16, 16
NW = NC * NS
B_PER_W = BT // NW
IDX_CHUNK = 80
BN = 2560


def _lse_body(t_ref, lse_ref):
    t = t_ref[...]
    m = jnp.max(t, axis=1, keepdims=True)
    s = jnp.sum(jnp.exp(t - m), axis=1, keepdims=True)
    lse_ref[...] = jnp.log(s) + m


def _combine_body(p_ref, out_ref):
    out_ref[...] = jnp.sum(p_ref[...], keepdims=True) * (1.0 / BT)


def _logits_body(x_ref, t_ref, out_ref):
    x = x_ref[...]
    rows = lax.broadcasted_iota(jnp.int32, (V, BN), 0)
    onehot = (rows == x).astype(jnp.bfloat16)
    out_ref[...] = jnp.dot(t_ref[...], onehot,
                           preferred_element_type=jnp.float32)


def _sc_loss_body(tflat_hbm, x_hbm, tgt_hbm, lse_hbm, part_hbm,
                  xv, fiv, tval, lsev, accv, sem0):
    cid = lax.axis_index("c")
    sid = lax.axis_index("s")
    wid = sid * NC + cid
    base = wid * B_PER_W

    pltpu.sync_copy(x_hbm.at[pl.ds(base, B_PER_W)], xv)
    pltpu.sync_copy(tgt_hbm.at[pl.ds(base, B_PER_W)], fiv)
    pltpu.sync_copy(lse_hbm, lsev)

    @pl.loop(0, B_PER_W // L)
    def _(i):
        o = pl.multiple_of(i * L, L)
        fiv[pl.ds(o, L)] = xv[pl.ds(o, L)] * V + fiv[pl.ds(o, L)]

    @pl.loop(0, B_PER_W // IDX_CHUNK)
    def _(c):
        o = pl.multiple_of(c * IDX_CHUNK, IDX_CHUNK)
        pltpu.async_copy(
            tflat_hbm.at[fiv.at[pl.ds(o, IDX_CHUNK)]],
            tval.at[pl.ds(o, IDX_CHUNK)], sem0).wait()

    zero = jnp.zeros((L,), jnp.float32)

    @pl.loop(0, B_PER_W // L, init_carry=zero)
    def acc(i, a):
        o = pl.multiple_of(i * L, L)
        x16 = xv[pl.ds(o, L)]
        lse_val = plsc.load_gather(lsev, [x16])
        return a + (lse_val - tval[pl.ds(o, L)])

    accv[...] = acc
    pltpu.sync_copy(accv, part_hbm.at[wid])


_sc_loss_kernel = functools.partial(
    pl.kernel,
    out_type=jax.ShapeDtypeStruct((NW, L), jnp.float32),
    mesh=plsc.VectorSubcoreMesh(core_axis_name="c", subcore_axis_name="s"),
    scratch_types=[
        pltpu.VMEM((B_PER_W,), jnp.int32),
        pltpu.VMEM((B_PER_W,), jnp.int32),
        pltpu.VMEM((B_PER_W,), jnp.float32),
        pltpu.VMEM((V,), jnp.float32),
        pltpu.VMEM((L,), jnp.float32),
        pltpu.SemaphoreType.DMA,
    ],
    compiler_params=pltpu.CompilerParams(
        use_tc_tiling_on_sc=False, needs_layout_passes=False),
)(_sc_loss_body)


def kernel(x, targets, table):
    xf = x.reshape(-1)
    tf = targets.reshape(-1)

    lse = pl.pallas_call(
        _lse_body,
        out_shape=jax.ShapeDtypeStruct((V, 1), jnp.float32),
    )(table)

    partials = _sc_loss_kernel(table.reshape(-1), xf, tf, lse.reshape(-1))

    logits_t = pl.pallas_call(
        _logits_body,
        grid=(BT // BN,),
        in_specs=[
            pl.BlockSpec((1, BN), lambda i: (0, i)),
            pl.BlockSpec((V, V), lambda i: (0, 0)),
        ],
        out_specs=pl.BlockSpec((V, BN), lambda i: (0, i)),
        out_shape=jax.ShapeDtypeStruct((V, BT), jnp.float32),
    )(xf.reshape(1, -1), table.astype(jnp.bfloat16).T)
    logits2 = logits_t.T

    loss = pl.pallas_call(
        _combine_body,
        out_shape=jax.ShapeDtypeStruct((1, 1), jnp.float32),
    )(partials)

    return logits2, loss.reshape(())

# --- scband reference (transcript-rebuilt; emitter-appended) ---
"""Pipeline reference for scband-bigram-model-46437186404822 (READ-ONLY COPY).

The authoritative reference and input builder live on the scoring server;
editing this copy changes nothing except your own understanding.
"""

import jax, jax.numpy as jnp
import numpy as np


def setup_inputs(seed: int = 0) -> dict:
    key = jax.random.key(seed)
    k1, k2, k3 = jax.random.split(key, 3)
    vocab_size = 1000
    B, T = 1024, 50
    x = jax.random.randint(k1, (B, T), 0, vocab_size, dtype=jnp.int64 if jax.config.jax_enable_x64 else jnp.int32).astype(jnp.int32)
    targets = jax.random.randint(k2, (B, T), 0, vocab_size, dtype=jnp.int64 if jax.config.jax_enable_x64 else jnp.int32).astype(jnp.int32)
    # nn.Embedding default init: N(0, 1)
    table = jax.random.normal(k3, (vocab_size, vocab_size), dtype=jnp.float32)
    return {"x": x, "targets": targets, "table": table}


def reference(x, targets, table):
    # logits = self.token_lookup_table(x)
    logits = jnp.take(table, x, axis=0)  # [B, T, C]
    B, T, C = logits.shape
    logits2 = logits.reshape(B * T, C)
    tgt = targets.reshape(B * T)
    # F.cross_entropy: mean over tokens of -log_softmax(logits)[target]
    log_probs = jax.nn.log_softmax(logits2, axis=-1)
    nll = -jnp.take_along_axis(log_probs, tgt[:, None], axis=1)[:, 0]
    loss = jnp.mean(nll)
    # Note: torch code returns the reshaped logits view when targets is given
    return (logits2, loss)

if __name__ == "__main__":
    import jax
    _d = setup_inputs()
    print(jax.jit(kernel)(*tuple(_d.values())))

</pallas_src>

<mosaic_0001>
#map = affine_map<(d0, d1) -> (0)>
#map1 = affine_map<(d0, d1) -> (0, 0)>
module attributes {stable_mosaic.version = 14 : i64} {
  func.func @_sc_loss_body(%arg0: i32, %arg1: i32, %arg2: memref<1000000xf32, #tpu.memory_space<hbm>>, %arg3: memref<51200xi32, #tpu.memory_space<hbm>>, %arg4: memref<51200xi32, #tpu.memory_space<hbm>>, %arg5: memref<1000xf32, #tpu.memory_space<hbm>>, %arg6: memref<32x16xf32, #tpu.memory_space<hbm>>, %arg7: memref<1600xi32, #tpu.memory_space<vmem>>, %arg8: memref<1600xi32, #tpu.memory_space<vmem>>, %arg9: memref<1600xf32, #tpu.memory_space<vmem>>, %arg10: memref<1000xf32, #tpu.memory_space<vmem>>, %arg11: memref<16xf32, #tpu.memory_space<vmem>>, %arg12: memref<!tpu.dma_semaphore, #tpu.memory_space<semaphore_mem>>) attributes {dimension_semantics = [#tpu.dimension_semantics<core_parallel>, #tpu.dimension_semantics<subcore_parallel>], iteration_bounds = array<i64: 2, 16>, scalar_prefetch = 0 : i64, scratch_operands = 6 : i64, tpu.core_type = #tpu.core_type<sc_vector_subcore>, window_params = [{transform_indices = #map}, {transform_indices = #map}, {transform_indices = #map}, {transform_indices = #map}, {transform_indices = #map1}]} {
    %mul3A = arith.constant 2 : i32
    %mul3A_0 = arith.muli %arg1, %mul3A : i32
    %add3A = arith.addi %mul3A_0, %arg0 : i32
    %mul3A_1 = arith.constant 1600 : i32
    %mul3A_2 = arith.muli %add3A, %mul3A_1 : i32
    "tpu.region"() ({
      %run_scoped3A = tpu.sem_alloc : memref<!tpu.dma_semaphore, #tpu.memory_space<semaphore_mem>>
      %dma_start3A = tpu.memref_slice %arg3[%mul3A_2] : memref<51200xi32, #tpu.memory_space<hbm>> -> memref<1600xi32, #tpu.memory_space<hbm>>
      %dma_start3A_20 = tpu.memref_slice %arg3[%mul3A_2] : memref<51200xi32, #tpu.memory_space<hbm>> -> memref<1600xi32, #tpu.memory_space<hbm>>
      tpu.enqueue_dma source(%dma_start3A_20 : memref<1600xi32, #tpu.memory_space<hbm>>) target(%arg7 : memref<1600xi32, #tpu.memory_space<vmem>>) target_semaphore(%run_scoped3A : memref<!tpu.dma_semaphore, #tpu.memory_space<semaphore_mem>>)
      %dma_wait3A = tpu.memref_slice %arg3[%mul3A_2] : memref<51200xi32, #tpu.memory_space<hbm>> -> memref<1600xi32, #tpu.memory_space<hbm>>
      %dma_wait3A_21 = tpu.memref_slice %arg3[%mul3A_2] : memref<51200xi32, #tpu.memory_space<hbm>> -> memref<1600xi32, #tpu.memory_space<hbm>>
      tpu.wait_dma2 semaphore(%run_scoped3A : memref<!tpu.dma_semaphore, #tpu.memory_space<semaphore_mem>>) src(%dma_wait3A_21 : memref<1600xi32, #tpu.memory_space<hbm>>) dst(%arg7 : memref<1600xi32, #tpu.memory_space<vmem>>)
      tpu.yield
    }) : () -> ()
    "tpu.region"() ({
      %run_scoped3A = tpu.sem_alloc : memref<!tpu.dma_semaphore, #tpu.memory_space<semaphore_mem>>
      %dma_start3A = tpu.memref_slice %arg4[%mul3A_2] : memref<51200xi32, #tpu.memory_space<hbm>> -> memref<1600xi32, #tpu.memory_space<hbm>>
      %dma_start3A_20 = tpu.memref_slice %arg4[%mul3A_2] : memref<51200xi32, #tpu.memory_space<hbm>> -> memref<1600xi32, #tpu.memory_space<hbm>>
      tpu.enqueue_dma source(%dma_start3A_20 : memref<1600xi32, #tpu.memory_space<hbm>>) target(%arg8 : memref<1600xi32, #tpu.memory_space<vmem>>) target_semaphore(%run_scoped3A : memref<!tpu.dma_semaphore, #tpu.memory_space<semaphore_mem>>)
      %dma_wait3A = tpu.memref_slice %arg4[%mul3A_2] : memref<51200xi32, #tpu.memory_space<hbm>> -> memref<1600xi32, #tpu.memory_space<hbm>>
      %dma_wait3A_21 = tpu.memref_slice %arg4[%mul3A_2] : memref<51200xi32, #tpu.memory_space<hbm>> -> memref<1600xi32, #tpu.memory_space<hbm>>
      tpu.wait_dma2 semaphore(%run_scoped3A : memref<!tpu.dma_semaphore, #tpu.memory_space<semaphore_mem>>) src(%dma_wait3A_21 : memref<1600xi32, #tpu.memory_space<hbm>>) dst(%arg8 : memref<1600xi32, #tpu.memory_space<vmem>>)
      tpu.yield
    }) : () -> ()
    "tpu.region"() ({
      %run_scoped3A = tpu.sem_alloc : memref<!tpu.dma_semaphore, #tpu.memory_space<semaphore_mem>>
      tpu.enqueue_dma source(%arg5 : memref<1000xf32, #tpu.memory_space<hbm>>) target(%arg10 : memref<1000xf32, #tpu.memory_space<vmem>>) target_semaphore(%run_scoped3A : memref<!tpu.dma_semaphore, #tpu.memory_space<semaphore_mem>>)
      tpu.wait_dma2 semaphore(%run_scoped3A : memref<!tpu.dma_semaphore, #tpu.memory_space<semaphore_mem>>) src(%arg5 : memref<1000xf32, #tpu.memory_space<hbm>>) dst(%arg10 : memref<1000xf32, #tpu.memory_space<vmem>>)
      tpu.yield
    }) : () -> ()
    %scan3A = arith.constant 0 : i32
    %scan3A_3 = arith.constant 100 : i32
    %scan3A_4 = arith.addi %scan3A, %scan3A_3 : i32
    %scan3A_5 = arith.constant 1 : i32
    scf.for %scan3A_20 = %scan3A to %scan3A_4 step %scan3A_5  : i32 {
      %mul3A_21 = arith.constant 1 : i32
      %mul3A_22 = arith.muli %scan3A_20, %mul3A_21 : i32
      %add3A_23 = arith.constant 0 : i32
      %add3A_24 = arith.addi %add3A_23, %mul3A_22 : i32
      %mul3A_25 = arith.constant 16 : i32
      %mul3A_26 = arith.muli %add3A_24, %mul3A_25 : i32
      %multiple_of3A = tpu.assume_multiple %mul3A_26, 16 : i32
      %get3A = arith.index_cast %multiple_of3A : i32 to index
      %get3A_27 = tpu.vector_load %arg7[%get3A] {strides = array<i32>} : memref<1600xi32, #tpu.memory_space<vmem>>, vector<16xi32>,
      %mul3A_28 = arith.constant 1000 : i32
      %mul3A_29 = vector.broadcast %mul3A_28 : i32 to vector<16xi32>
      %mul3A_30 = arith.muli %get3A_27, %mul3A_29 : vector<16xi32>
      %get3A_31 = arith.index_cast %multiple_of3A : i32 to index
      %get3A_32 = tpu.vector_load %arg8[%get3A_31] {strides = array<i32>} : memref<1600xi32, #tpu.memory_space<vmem>>, vector<16xi32>,
      %add3A_33 = arith.addi %mul3A_30, %get3A_32 : vector<16xi32>
      %swap3A_34 = arith.index_cast %multiple_of3A : i32 to index
      %swap3A_35 = tpu.vector_load %arg8[%swap3A_34] {strides = array<i32>} : memref<1600xi32, #tpu.memory_space<vmem>>, vector<16xi32>,
      tpu.vector_store %arg8[%swap3A_34], %add3A_33 {strides = array<i32>} : memref<1600xi32, #tpu.memory_space<vmem>>, vector<16xi32>,
    }
    %scan3A_6 = arith.constant 100 : i32
    %scan3A_7 = arith.constant 0 : i32
    %scan3A_8 = arith.constant 20 : i32
    %scan3A_9 = arith.addi %scan3A_7, %scan3A_8 : i32
    %scan3A_10 = arith.constant 1 : i32
    scf.for %scan3A_20 = %scan3A_7 to %scan3A_9 step %scan3A_10  : i32 {
      %mul3A_21 = arith.constant 1 : i32
      %mul3A_22 = arith.muli %scan3A_20, %mul3A_21 : i32
      %add3A_23 = arith.constant 0 : i32
      %add3A_24 = arith.addi %add3A_23, %mul3A_22 : i32
      %mul3A_25 = arith.constant 80 : i32
      %mul3A_26 = arith.muli %add3A_24, %mul3A_25 : i32
      %multiple_of3A = tpu.assume_multiple %mul3A_26, 80 : i32
      %dma_start3A = tpu.memref_slice %arg9[%multiple_of3A] : memref<1600xf32, #tpu.memory_space<vmem>> -> memref<80xf32, #tpu.memory_space<vmem>>
      %dma_start3A_27 = tpu.memref_slice %arg8[%multiple_of3A] : memref<1600xi32, #tpu.memory_space<vmem>> -> memref<80xi32, #tpu.memory_space<vmem>>
      %dma_start3A_28 = arith.constant 0 : i32
      %dma_start3A_29 = tpu.memref_slice %arg2[%dma_start3A_28] : memref<1000000xf32, #tpu.memory_space<hbm>> -> memref<1000000xf32, #tpu.memory_space<hbm>>
      tpu.enqueue_indirect_dma source(%dma_start3A_29 : memref<1000000xf32, #tpu.memory_space<hbm>>) target(%dma_start3A : memref<80xf32, #tpu.memory_space<vmem>>) offsets(%dma_start3A_27 : memref<80xi32, #tpu.memory_space<vmem>>) semaphore(%arg12 : memref<!tpu.dma_semaphore, #tpu.memory_space<semaphore_mem>>)
      %dma_wait3A = tpu.memref_slice %arg9[%multiple_of3A] : memref<1600xf32, #tpu.memory_space<vmem>> -> memref<80xf32, #tpu.memory_space<vmem>>
      %dma_wait3A_30 = tpu.memref_slice %arg8[%multiple_of3A] : memref<1600xi32, #tpu.memory_space<vmem>> -> memref<80xi32, #tpu.memory_space<vmem>>
      %dma_wait3A_31 = arith.constant 0 : i32
      %dma_wait3A_32 = tpu.memref_slice %arg2[%dma_wait3A_31] : memref<1000000xf32, #tpu.memory_space<hbm>> -> memref<1000000xf32, #tpu.memory_space<hbm>>
      tpu.wait_indirect_dma semaphore(%arg12 : memref<!tpu.dma_semaphore, #tpu.memory_space<semaphore_mem>>) src(%dma_wait3A_32 : memref<1000000xf32, #tpu.memory_space<hbm>>) dst(%dma_wait3A : memref<80xf32, #tpu.memory_space<vmem>>)
    }
    %scan3A_11 = arith.constant 20 : i32
    %broadcast_in_dim3A = arith.constant 0.000000e+00 : f32
    %broadcast_in_dim3A_12 = vector.broadcast %broadcast_in_dim3A : f32 to vector<16xf32>
    %scan3A_13 = arith.constant 0 : i32
    %scan3A_14 = arith.constant 100 : i32
    %scan3A_15 = arith.addi %scan3A_13, %scan3A_14 : i32
    %scan3A_16 = arith.constant 1 : i32
    %scan3A_17 = scf.for %scan3A_20 = %scan3A_13 to %scan3A_15 step %scan3A_16 iter_args(%scan3A_21 = %broadcast_in_dim3A_12) -> (vector<16xf32>)  : i32 {
      %mul3A_22 = arith.constant 1 : i32
      %mul3A_23 = arith.muli %scan3A_20, %mul3A_22 : i32
      %add3A_24 = arith.constant 0 : i32
      %add3A_25 = arith.addi %add3A_24, %mul3A_23 : i32
      %mul3A_26 = arith.constant 16 : i32
      %mul3A_27 = arith.muli %add3A_25, %mul3A_26 : i32
      %multiple_of3A = tpu.assume_multiple %mul3A_27, 16 : i32
      %get3A = arith.index_cast %multiple_of3A : i32 to index
      %get3A_28 = tpu.vector_load %arg7[%get3A] {strides = array<i32>} : memref<1600xi32, #tpu.memory_space<vmem>>, vector<16xi32>,
      %gather3A = tpu.vector_load_idx %arg10[%get3A_28] : memref<1000xf32, #tpu.memory_space<vmem>>[vector<16xi32>], vector<16xf32>,
      %get3A_29 = arith.index_cast %multiple_of3A : i32 to index
      %get3A_30 = tpu.vector_load %arg9[%get3A_29] {strides = array<i32>} : memref<1600xf32, #tpu.memory_space<vmem>>, vector<16xf32>,
      %sub3A = arith.subf %gather3A, %get3A_30 : vector<16xf32>
      %add3A_31 = arith.addf %scan3A_21, %sub3A : vector<16xf32>
      scf.yield %add3A_31 : vector<16xf32>
    }
    %scan3A_18 = arith.constant 100 : i32
    %swap3A = arith.constant 0 : index
    %swap3A_19 = tpu.vector_load %arg11[%swap3A] {strides = array<i32>} : memref<16xf32, #tpu.memory_space<vmem>>, vector<16xf32>,
    tpu.vector_store %arg11[%swap3A], %scan3A_17 {strides = array<i32>} : memref<16xf32, #tpu.memory_space<vmem>>, vector<16xf32>,
    "tpu.region"() ({
      %run_scoped3A = tpu.sem_alloc : memref<!tpu.dma_semaphore, #tpu.memory_space<semaphore_mem>>
      %dma_start3A = arith.constant 0 : i32
      %dma_start3A_20 = tpu.memref_slice %arg6[%add3A, %dma_start3A] : memref<32x16xf32, #tpu.memory_space<hbm>> -> memref<1x16xf32, #tpu.memory_space<hbm>>
      %dma_start3A_21 = tpu.memref_squeeze %dma_start3A_20 : memref<1x16xf32, #tpu.memory_space<hbm>> -> memref<16xf32, #tpu.memory_space<hbm>>
      %dma_start3A_22 = arith.constant 0 : i32
      %dma_start3A_23 = tpu.memref_slice %arg6[%add3A, %dma_start3A_22] : memref<32x16xf32, #tpu.memory_space<hbm>> -> memref<1x16xf32, #tpu.memory_space<hbm>>
      %dma_start3A_24 = tpu.memref_squeeze %dma_start3A_23 : memref<1x16xf32, #tpu.memory_space<hbm>> -> memref<16xf32, #tpu.memory_space<hbm>>
      tpu.enqueue_dma source(%arg11 : memref<16xf32, #tpu.memory_space<vmem>>) target(%dma_start3A_24 : memref<16xf32, #tpu.memory_space<hbm>>) target_semaphore(%run_scoped3A : memref<!tpu.dma_semaphore, #tpu.memory_space<semaphore_mem>>)
      %dma_wait3A = arith.constant 0 : i32
      %dma_wait3A_25 = tpu.memref_slice %arg6[%add3A, %dma_wait3A] : memref<32x16xf32, #tpu.memory_space<hbm>> -> memref<1x16xf32, #tpu.memory_space<hbm>>
      %dma_wait3A_26 = tpu.memref_squeeze %dma_wait3A_25 : memref<1x16xf32, #tpu.memory_space<hbm>> -> memref<16xf32, #tpu.memory_space<hbm>>
      %dma_wait3A_27 = arith.constant 0 : i32
      %dma_wait3A_28 = tpu.memref_slice %arg6[%add3A, %dma_wait3A_27] : memref<32x16xf32, #tpu.memory_space<hbm>> -> memref<1x16xf32, #tpu.memory_space<hbm>>
      %dma_wait3A_29 = tpu.memref_squeeze %dma_wait3A_28 : memref<1x16xf32, #tpu.memory_space<hbm>> -> memref<16xf32, #tpu.memory_space<hbm>>
      tpu.wait_dma2 semaphore(%run_scoped3A : memref<!tpu.dma_semaphore, #tpu.memory_space<semaphore_mem>>) src(%arg11 : memref<16xf32, #tpu.memory_space<vmem>>) dst(%dma_wait3A_29 : memref<16xf32, #tpu.memory_space<hbm>>)
      tpu.yield
    }) : () -> ()
    return
  }
}

module attributes {stable_mosaic.version = 14 : i64} {
  func.func @_lse_body(%arg0: memref<1000x1000xf32, #tpu.memory_space<vmem>>, %arg1: memref<1000x1xf32, #tpu.memory_space<vmem>>) attributes {dimension_semantics = [], scalar_prefetch = 0 : i64, scratch_operands = 0 : i64, tpu.core_type = #tpu.core_type<tc>} {
    %get3A = arith.constant 0 : index
    %get3A_0 = arith.constant 0 : index
    %get3A_1 = vector.load %arg0[%get3A, %get3A_0] : memref<1000x1000xf32, #tpu.memory_space<vmem>>, vector<1000x1000xf32>
    %reduce_max3A = arith.constant dense<0xFF800000> : vector<1000xf32>
    %reduce_max3A_2 = vector.multi_reduction <maximumf>, %get3A_1, %reduce_max3A [1] : vector<1000x1000xf32> to vector<1000xf32>
    %broadcast_in_dim3A = vector.shape_cast %reduce_max3A_2 : vector<1000xf32> to vector<1000x1xf32>
    %sub3A = vector.broadcast %broadcast_in_dim3A : vector<1000x1xf32> to vector<1000x1000xf32>
    %sub3A_3 = arith.subf %get3A_1, %sub3A : vector<1000x1000xf32>
    %exp3A = math.exp %sub3A_3 : vector<1000x1000xf32>
    %reduce_sum3A = arith.constant dense<0.000000e+00> : vector<1000xf32>
    %reduce_sum3A_4 = vector.multi_reduction <add>, %exp3A, %reduce_sum3A [1] : vector<1000x1000xf32> to vector<1000xf32>
    %broadcast_in_dim3A_5 = vector.shape_cast %reduce_sum3A_4 : vector<1000xf32> to vector<1000x1xf32>
    %log3A = math.log %broadcast_in_dim3A_5 : vector<1000x1xf32>
    %add3A = arith.addf %log3A, %broadcast_in_dim3A : vector<1000x1xf32>
    %swap3A = arith.constant 0 : index
    %swap3A_6 = arith.constant 0 : index
    %swap3A_7 = vector.load %arg1[%swap3A, %swap3A_6] : memref<1000x1xf32, #tpu.memory_space<vmem>>, vector<1000x1xf32>
    tpu.vector_store %arg1[%swap3A, %swap3A_6], %add3A {strides = array<i32>} : memref<1000x1xf32, #tpu.memory_space<vmem>>, vector<1000x1xf32>,
    return
  }
}

module attributes {stable_mosaic.version = 14 : i64} {
  func.func @_logits_body(%arg0: i32, %arg1: memref<1x2560xi32, #tpu.memory_space<vmem>>, %arg2: memref<1000x1000xbf16, #tpu.memory_space<vmem>>, %arg3: memref<1000x2560xf32, #tpu.memory_space<vmem>>) attributes {dimension_semantics = [#tpu.dimension_semantics<arbitrary>], iteration_bounds = array<i64: 20>, scalar_prefetch = 0 : i64, scratch_operands = 0 : i64, tpu.core_type = #tpu.core_type<tc>, window_params = [{transform_indices = @transform_0, window_bounds = array<i64: 1, 2560>}, {pipeline_mode = #tpu.pipeline_mode<synchronous>, transform_indices = @transform_1, window_bounds = array<i64: 1000, 1000>}, {transform_indices = @transform_2, window_bounds = array<i64: 1000, 2560>}]} {
    %get3A = arith.constant 0 : index
    %get3A_0 = arith.constant 0 : index
    %get3A_1 = vector.load %arg1[%get3A, %get3A_0] : memref<1x2560xi32, #tpu.memory_space<vmem>>, vector<1x2560xi32>
    %iota3A = tpu.iota {dimensions = array<i32: 0>} : vector<1000x2560xi32>
    %eq3A = vector.broadcast %get3A_1 : vector<1x2560xi32> to vector<1000x2560xi32>
    %eq3A_2 = arith.cmpi eq, %iota3A, %eq3A : vector<1000x2560xi32>
    %convert_element_type3A = arith.extui %eq3A_2 : vector<1000x2560xi1> to vector<1000x2560xi32>
    %convert_element_type3A_3 = arith.sitofp %convert_element_type3A : vector<1000x2560xi32> to vector<1000x2560xf32>
    %convert_element_type3A_4 = arith.truncf %convert_element_type3A_3 : vector<1000x2560xf32> to vector<1000x2560xbf16>
    %get3A_5 = arith.constant 0 : index
    %get3A_6 = arith.constant 0 : index
    %get3A_7 = vector.load %arg2[%get3A_5, %get3A_6] : memref<1000x1000xbf16, #tpu.memory_space<vmem>>, vector<1000x1000xbf16>
    %dot_general3A = arith.constant dense<0.000000e+00> : vector<1000x2560xf32>
    %dot_general3A_8 = tpu.matmul %get3A_7, %convert_element_type3A_4, %dot_general3A {dimension_numbers = #tpu.dot_dimension_numbers<[1], [0], [0], [1], [0, 0, 1, 1], [], []>, transpose_lhs_hint = false} : vector<1000x1000xbf16>, vector<1000x2560xbf16>, vector<1000x2560xf32> -> vector<1000x2560xf32>
    %swap3A = arith.constant 0 : index
    %swap3A_9 = arith.constant 0 : index
    %swap3A_10 = vector.load %arg3[%swap3A, %swap3A_9] : memref<1000x2560xf32, #tpu.memory_space<vmem>>, vector<1000x2560xf32>
    tpu.vector_store %arg3[%swap3A, %swap3A_9], %dot_general3A_8 {strides = array<i32>} : memref<1000x2560xf32, #tpu.memory_space<vmem>>, vector<1000x2560xf32>,
    return
  }
  func.func @transform_0(%arg0: i32) -> (i32, i32) {
    %c0_i32 = arith.constant 0 : i32
    %c0_i32_0 = arith.constant 0 : i32
    return %c0_i32, %arg0 : i32, i32
  }
  func.func @transform_1(%arg0: i32) -> (i32, i32) {
    %c0_i32 = arith.constant 0 : i32
    %c0_i32_0 = arith.constant 0 : i32
    %c0_i32_1 = arith.constant 0 : i32
    return %c0_i32, %c0_i32_0 : i32, i32
  }
  func.func @transform_2(%arg0: i32) -> (i32, i32) {
    %c0_i32 = arith.constant 0 : i32
    %c0_i32_0 = arith.constant 0 : i32
    return %c0_i32, %arg0 : i32, i32
  }
}

module attributes {stable_mosaic.version = 14 : i64} {
  func.func @_combine_body(%arg0: memref<32x16xf32, #tpu.memory_space<vmem>>, %arg1: memref<1x1xf32, #tpu.memory_space<vmem>>) attributes {dimension_semantics = [], scalar_prefetch = 0 : i64, scratch_operands = 0 : i64, tpu.core_type = #tpu.core_type<tc>} {
    %get3A = arith.constant 0 : index
    %get3A_0 = arith.constant 0 : index
    %get3A_1 = vector.load %arg0[%get3A, %get3A_0] : memref<32x16xf32, #tpu.memory_space<vmem>>, vector<32x16xf32>
    %reduce_sum3A = vector.shape_cast %get3A_1 : vector<32x16xf32> to vector<1x32x16xf32>
    %reduce_sum3A_2 = arith.constant dense<0.000000e+00> : vector<1xf32>
    %reduce_sum3A_3 = vector.multi_reduction <add>, %reduce_sum3A, %reduce_sum3A_2 [1, 2] : vector<1x32x16xf32> to vector<1xf32>
    %reduce_sum3A_4 = vector.shape_cast %reduce_sum3A_3 : vector<1xf32> to vector<1x1x1xf32>
    %reduce_sum3A_5 = vector.extract %reduce_sum3A_4[0, 0, 0] : f32 from vector<1x1x1xf32>
    %broadcast_in_dim3A = vector.broadcast %reduce_sum3A_5 : f32 to vector<1x1xf32>
    %mul3A = arith.constant 1.95312496E-5 : f32
    %mul3A_6 = vector.broadcast %mul3A : f32 to vector<1x1xf32>
    %mul3A_7 = arith.mulf %broadcast_in_dim3A, %mul3A_6 : vector<1x1xf32>
    %swap3A = arith.constant 0 : index
    %swap3A_8 = arith.constant 0 : index
    %swap3A_9 = vector.load %arg1[%swap3A, %swap3A_8] : memref<1x1xf32, #tpu.memory_space<vmem>>, vector<1x1xf32>
    tpu.vector_store %arg1[%swap3A, %swap3A_8], %mul3A_7 {strides = array<i32>} : memref<1x1xf32, #tpu.memory_space<vmem>>, vector<1x1xf32>,
    return
  }
}

</mosaic_0001>

<sc_bundles>
// kernel: kernel.6.cloned.1.call-start
scs
__scs_entry_jumppad:
0x0: {  	(pc) =	sbr.rel $0x88, $3  }
0x1: {  	(tag) =	ssettag $0x0;
	lr =	simm.s32 $0x1  }
0x2: {  	[smem:$0x3F9E] =	sst lr;
	_ =	strace $0xD0000000  }
0x3: {  	_ = 	snop  }
0x4: {  	_ = 	snop  }
0x5: {  	_ = 	snop  }
0x6: {  	_ = 	snop  }
0x7: {  	_ = 	snop  }
__scs_overlays_trampoline_lowered:
0x8: {  	[smem:$0x3FAD] =	sst s0  }
0x9: {  	[smem:$0x3FAE] =	sst s1  }
0xa: {  	[smem:$0x3FAF] =	sst s2  }
0xb: {  	[smem:$0x3FB0] =	sst s3  }
0xc: {  	[smem:$0x3FB1] =	sst s4  }
0xd: {  	[smem:$0x3FB2] =	sst s5  }
0xe: {  	[smem:$0x3FB3] =	sst s6  }
0xf: {  	[smem:$0x3FB4] =	sst s7  }
0x10: {  	[smem:$0x3FB5] =	sst s8  }
0x11: {  	[smem:$0x3FB6] =	sst s9;
	s0 =	simm.s32 @!p0 $0x0  }
0x12: {  	s1 =	sld [smem:$0x3F9C];
	s0 =	simm.s32 @p0 $0x1  }
0x13: {  	[smem:$0x3FB7] =	sst s0;
	s0 =	simm.s32 @!p1 $0x0  }
0x14: {  	s2 =	sld [smem:$0x3F9B];
	s0 =	simm.s32 @p1 $0x1  }
0x15: {  	[smem:$0x3FB8] =	sst s0;
	s0 =	simm.s32 @!p2 $0x0  }
0x16: {  	s3 =	sld [smem:$0x3FDB];
	s0 =	simm.s32 @p2 $0x1  }
0x17: {  	s4 =	simm.s32 $0x1BF5;
	[smem:$0x3FBA] =	sst s0  }
0x18: {  	s0 =	sld [smem:$0x3F9D];
	_ =	swait.ge [sflag:s4], $0x0  }
0x19: {  	s7 =	sld [smem:$0x3F9E]  }
0x1a: {  	s8 =	sadd.s32 $0xFFFFE003, lr  }
0x1b: {  	s9 =	sadd.s32 $0xFFFFFEF7, lr;
	s5 =	simm.s32 $0xFFFFFFFF;
	p2 =	slt.u32 s8, $0xFFFFF086  }
0x1c: {  	p1 =	slt.u32 s9, $0xF7A;
	s5 =	simm.s32 @!p2 $0x0  }
0x1d: {  	s5 =	simm.s32 @p1 $0x1;
	p0 =	seq.s32 s7, s2  }
0x1e: {  	s7 =	smul.u32 @!p0 $0xF7A, s2;
	p2 =	seq.s32 @!p0 s5, $0x0  }
0x1f: {  	s9 =	smul.u32 $0xF7A, s1;
	s8 =	simm.s32 @!p0 $0x1BF5;
	p2 =	por !p2, p0  }
0x20: {  	[sflag:s8] =	ssyncset.s32 @!p0 $0xFFFFF086;
	s6 =	sadd.s32 @!p0 s3, s7;
	s7 =	simm.s32 @!p0 $0x108  }
0x21: {  	s3 =	sadd.s32 s3, s9;
	s6 =	sadd.s32 @!p0 $0x88, s6;
	s7 =	simm.s32 @p2 $0x1082  }
0x22: {  	[simem:s7], [sflag:s8] =	dma.local @!p0 [hbm:s6], $0xF7A  }
0x23: {  	s9 =	sor.u32 $0xD0000000, s2;
	s6 =	simm.s32 $0x108;
	_ =	swait.ge @!p0 [sflag:s8], $0x0  }
0x24: {  	s3 =	sadd.s32 $0x88, s3;
	s6 =	simm.s32 @!p1 $0x1082;
	[sflag:s4] =	ssyncset.s32 $0xFFFFF086  }
0x25: {  	[simem:s6], [sflag:s4] =	dma.local [hbm:s3], $0xF7A  }
0x26: {  	[smem:$0x3F9E] =	sst s1;
	(tag) =	ssettag s2;
	_ =	strace s9  }
0x27: {  	s1 =	sld [smem:$0x3FAE]  }
0x28: {  	s2 =	sld [smem:$0x3FAF]  }
0x29: {  	s4 =	sld [smem:$0x3FB1]  }
0x2a: {  	p0 =	seq.s32 s5, $0x0;
	s5 =	sld [smem:$0x3FB2]  }
0x2b: {  	s6 =	sld [smem:$0x3FB3]  }
0x2c: {  	s7 =	sld [smem:$0x3FB4]  }
0x2d: {  	s3 =	simm.s32 $0x108;
	s8 =	sld [smem:$0x3FB5]  }
0x2e: {  	s3 =	simm.s32 @!p0 $0x1082;
	s9 =	sld [smem:$0x3FB6]  }
0x2f: {  	lr =	sadd.s32 s0, s3;
	s0 =	sld [smem:$0x3FAD]  }
0x30: {  	s3 =	sld [smem:$0x3FB0]  }
0x31: {  	[smem:$0x3FB9] =	sst s10  }
0x32: {  	s10 =	sld [smem:$0x3FB7];
	_ =	sdelay $0x3  }
0x33: {  	p0 =	seq.s32 s10, $0x1;
	s10 =	sld [smem:$0x3FB9];
	_ =	sdelay $0x3  }
0x34: {  	[smem:$0x3FB9] =	sst s10  }
0x35: {  	s10 =	sld [smem:$0x3FB8];
	_ =	sdelay $0x3  }
0x36: {  	p1 =	seq.s32 s10, $0x1;
	s10 =	sld [smem:$0x3FB9];
	_ =	sdelay $0x3  }
0x37: {  	[smem:$0x3FB9] =	sst s10  }
0x38: {  	s10 =	sld [smem:$0x3FBA]  }
0x39: {  	_ = 	snop;
	(pc) =	sbr.ind lr, $3  }
0x3a: {  	_ = 	snop  }
0x3b: {  	_ = 	snop  }
0x3c: {  	p2 =	seq.s32 s10, $0x1;
	s10 =	sld [smem:$0x3FB9]  }
0x3d: {  	_ =	shalt  }
0x3e: {  	_ =	shalt  }
0x3f: {  	_ =	shalt  }
0x40: {  	_ =	shalt  }
0x41: {  	_ =	shalt  }
0x42: {  	_ =	shalt  }
0x43: {  	_ =	shalt  }
0x44: {  	_ =	shalt  }
0x45: {  	_ =	shalt  }
0x46: {  	_ =	shalt  }
0x47: {  	_ =	shalt  }
0x48: {  	_ =	shalt  }
0x49: {  	_ =	shalt  }
0x4a: {  	_ =	shalt  }
0x4b: {  	_ =	shalt  }
0x4c: {  	_ =	shalt  }
0x4d: {  	_ =	shalt  }
0x4e: {  	_ =	shalt  }
0x4f: {  	_ =	shalt  }
0x50: {  	_ =	shalt  }
0x51: {  	_ =	shalt  }
0x52: {  	_ =	shalt  }
0x53: {  	_ =	shalt  }
0x54: {  	_ =	shalt  }
0x55: {  	_ =	shalt  }
0x56: {  	_ =	shalt  }
0x57: {  	_ =	shalt  }
0x58: {  	_ =	shalt  }
0x59: {  	_ =	shalt  }
0x5a: {  	_ =	shalt  }
0x5b: {  	_ =	shalt  }
0x5c: {  	_ =	shalt  }
0x5d: {  	_ =	shalt  }
0x5e: {  	_ =	shalt  }
0x5f: {  	_ =	shalt  }
0x60: {  	_ =	shalt  }
0x61: {  	_ =	shalt  }
0x62: {  	_ =	shalt  }
0x63: {  	_ =	shalt  }
0x64: {  	_ =	shalt  }
0x65: {  	_ =	shalt  }
0x66: {  	_ =	shalt  }
0x67: {  	_ =	shalt  }
0x68: {  	_ =	shalt  }
0x69: {  	_ =	shalt  }
0x6a: {  	_ =	shalt  }
0x6b: {  	_ =	shalt  }
0x6c: {  	_ =	shalt  }
0x6d: {  	_ =	shalt  }
0x6e: {  	_ =	shalt  }
0x6f: {  	_ =	shalt  }
0x70: {  	_ =	shalt  }
0x71: {  	_ =	shalt  }
0x72: {  	_ =	shalt  }
0x73: {  	_ =	shalt  }
0x74: {  	_ =	shalt  }
0x75: {  	_ =	shalt  }
0x76: {  	_ =	shalt  }
0x77: {  	_ =	shalt  }
0x78: {  	_ =	shalt  }
0x79: {  	_ =	shalt  }
0x7a: {  	_ =	shalt  }
0x7b: {  	_ =	shalt  }
0x7c: {  	_ =	shalt  }
0x7d: {  	_ =	shalt  }
0x7e: {  	_ =	shalt  }
0x7f: {  	_ =	shalt  }
0x80: {  	_ =	shalt  }
0x81: {  	_ =	shalt  }
0x82: {  	_ =	shalt  }
0x83: {  	_ =	shalt  }
0x84: {  	_ =	shalt  }
0x85: {  	_ =	shalt  }
0x86: {  	_ =	shalt  }
0x87: {  	_ =	shalt  }
.Lfunc_end0:
.L_simem_size_0:
called_computation_lowered:
.L_overlay_start_0:
0x88: {  	s2 =	sld [smem:$0x3FD9]  }
0x89: {  	s3 =	sld [smem:$0x3FFE];
	_ =	sdelay $0x1  }
0x8a: {  	s1 =	srdreg.scid  }
0x8b: {  	s0 =	sand.u32 $0x1, s1  }
0x8c: {  	s16 =	sshll.u32 s0, $0xA;
	s2 =	sadd.s32 s3, s2  }
0x8d: {  	s2 =	sadd.s32 s2, s16  }
0x8e: {  	[smem:$0x3FC5] =	sst s2  }
0x8f: {  	_ = 	snop  }
0x90: {  	(tm) =	ssettm $0x1  }
0x91: {  	s17 =	sld [smem:$0x3FFB];
	_ =	sdelay $0x3  }
0x92: {  	_ =	strace s17  }
0x93: {  	s2 =	sld [smem:$0x3FFC];
	_ =	sdelay $0x3  }
0x94: {  	_ =	strace s2  }
0x95: {  	s2 =	sld [smem:$0x3FFD];
	_ =	sdelay $0x3  }
0x96: {  	_ =	strace s2  }
0x97: {  	_ =	strace $0x8FFFFFFF  }
0x98: {  	s18 =	sld [smem:$0x3FDB];
	_ =	sdelay $0x1  }
0x99: {  	s19 =	simm.s32 $_scs_section_size  }
0x9a: {  	s4 =	simm.s32 $_size__tile_overlayer_lowered;
	s5 =	simm.s32 $_tile_overlayer_lowered  }
0x9b: {  	s22 =	simm.s32 $0x1BFF;
	s21 =	sshll.u32 s5, $0x1;
	s2 =	sadd.s32 s19, s18  }
0x9c: {  	s6 =	simm.s32 $0x0;
	s20 =	sshll.u32 s4, $0x1;
	s4 =	sadd.s32 s21, s2  }
0x9d: {  	[timem:s6], [sflag:s22] =	dma.local [hbm:s4], s20  }
0x9e: {  	_ =	swait.ge [sflag:s22], s20  }
0x9f: {  	s3 =	ssub.s32 $0x0, s20;
	[sflag:s22] =	ssyncset.done $0x0  }
0xa0: {  	[sflag:s22] =	ssyncadd.s32 s3;
	_ =	sdelay $0x1  }
0xa1: {  	s23 =	simm.s32 $0x1B8B  }
0xa2: {  	_ =	swait.ge [sflag:s23], $0x1  }
0xa3: {  	[sflag:s23] =	ssyncset.done $0x0  }
0xa4: {  	s25 =	simm.s32 $0x1B8E;
	s24 =	sld [smem:$0x3FFE];
	[sflag:s23] =	ssyncadd.s32 $0xFFFFFFFF  }
0xa5: {  	s26 =	simm.s32 $execute0_lowered;
	[smem:$0x3FD2] =	sst s25  }
0xa6: {  	s4 =	sshll.u32 s26, $0x1;
	_ =	strace $0x80000046;
	[dreg:$0x1] =	wrdreg $0xFFFFFFFF  }
0xa7: {  	s28 =	simm.s32 $_size_execute0_lowered;
	s2 =	sadd.s32 s2, s4;
	[dreg:$0x0] =	wrdreg $0x0  }
0xa8: {  	s4 =	sshll.u32 s28, $0x1;
	[dreg:$0x2] =	wrdreg s2  }
0xa9: {  	[dreg:$0x3] =	wrdreg s4  }
0xaa: {  	[dreg:$0x4] =	wrdreg $0xC0  }
0xab: {  	_ =	task [dreg:s6], $0x5FFFF  }
0xac: {  	[dreg:$0x1] =	wrdreg $0xFFFFFFFF  }
0xad: {  	[dreg:$0x0] =	wrdreg $0x60  }
0xae: {  	[dreg:$0x2] =	wrdreg s24  }
0xaf: {  	[dreg:$0x3] =	wrdreg $0x9  }
0xb0: {  	_ =	task.clear_ibuf [dreg:s6], $0x4FFFF;
	_ =	strace $0x90000046  }
0xb1: {  	s29 =	simm.s32 $0x9;
	_ =	strace $0x80000048  }
0xb2: {  	_ =	swait.ge [sflag:s29], $0x1  }
0xb3: {  	[sflag:s29] =	ssyncadd.s32 $0xFFFFFFFF  }
0xb4: {  	_ =	strace $0x90000048  }
0xb5: {  	_ =	sfence  }
0xb6: {  	s30 =	sld [smem:$0x0];
	_ =	sdelay $0x2  }
0xb7: {  	s31 =	sshll.u32 s1, $0xD;
	s1 =	sshrl.u32 s1, $0x2  }
0xb8: {  	s3 =	sand.u32 $0x4000, s31;
	s1 =	sadd.s32 s1, s30  }
0xb9: {  	s0 =	sor.u32 s3, s0;
	s1 =	sshll.u32 s1, $0x11  }
0xba: {  	s0 =	sor.u32 s1, s0  }
0xbb: {  	s0 =	sadd.s32 $0x8F2B, s0  }
0xbc: {  	[sflag:s0] =	ssyncadd.remote.s32 $0x1  }
0xbd: {  	_ =	sfence.sel $0xFFFF  }
0xbe: {  	[dreg:$0x0] =	wrdreg $0xFFFFFFFF;
	(pc) =	sbr.abs _section_cstart, $3  }
0xbf: {  	[dreg:$0x1] =	wrdreg $0xFFFFFFFF  }
0xc0: {  	_ =	task.clear_ibuf [dreg:s6], $0x2FFFF;
	_ =	strace $0x9FFFFFFF  }
0xc1: {  	(tm) =	ssettm $0x7FFFFFFF  }
tec
execute0_lowered:
.L_overlay_start_1:
0x0: {  	(tag) =	ssettag $0x1  }
0x1: {  	s1 =	srdreg.scid  }
0x2: {  	s0 =	stileid.u32;
	s5 =	rddreg [dreg:$0x0]  }
0x3: {  	s2 =	simm.s32 $0x0;
	s10 =	simm.s32 $0x640;
	s11 =	simm.s32 $0x12C0  }
0x4: {  	s12 =	simm.s32 $0x50;
	s13 =	simm.s32 $0x1;
	s14 =	simm.s32 $0x16A8  }
0x5: {  	s4 =	sand.u32 $0x1, s1;
	s3 =	sshll.u32 s0, $0x1;
	s1 =	rddreg [dreg:$0x1]  }
0x6: {  	s15 =	simm.s32 $0x0;
	[smem:$0x7FF] =	sst s2;
	s6 =	sor.u32 s4, s3  }
0x7: {  	_ =	strace $0x80000047;
	s8 =	ssub.s32 $0x2, s4;
	s7 =	smul.u32 $0xC8, s6  }
0x8: {  	s3 =	sadd.s32 $0x600, s5;
	s4 =	sadd.s32 $0x22400, s5;
	s31 =	sshrl.u32 s8, $0x1  }
0x9: {  	s6 =	sshll.u32 s6, $0x1;
	s8 =	ssub.s32 s8, s31;
	s7 =	sadd.s32 s7, s5  }
0xa: {  	s9 =	sadd.s32 s6, s5;
	s8 =	smax.u32 s8, $0x1;
	s5 =	sadd.s32 $0x1F000, s7  }
0xb: {  	s6 =	sadd.s32 $0x20A00, s7;
	s7 =	sadd.s32 $0x22600, s9;
	s9 =	simm.s32 $0x2  }
.LBB2_1:
0xc: {  	[tilespmem:s2], [sflag:$0x2] =	stream.linear.gather [hbm4b:s5+s2], $0x640, $0x38;
	[tilespmem:$0x16B8] =	vst v63  }
0xd: {  	_ =	swait.ge [sflag:s9], $0x640  }
0xe: {  	[sflag:s9] =	ssyncset.done $0x0  }
0xf: {  	[sflag:s9] =	ssyncadd.s32 $0xFFFFF9C0  }
0x10: {  	[tilespmem:s10], [sflag:$0x2] =	stream.linear.gather [hbm4b:s6+s2], $0x640, $0x38;
	[tilespmem:$0x16B8] =	vst v63  }
0x11: {  	_ =	swait.ge [sflag:s9], $0x640  }
0x12: {  	[sflag:s9] =	ssyncset.done $0x0  }
0x13: {  	[sflag:s9] =	ssyncadd.s32 $0xFFFFF9C0  }
0x14: {  	[tilespmem:s11], [sflag:$0x2] =	stream.linear.gather [hbm4b:s4+s2], $0x3E8, $0x38;
	[tilespmem:$0x16B8] =	vst v63  }
0x15: {  	_ =	swait.ge [sflag:s9], $0x3E8  }
0x16: {  	[sflag:s9] =	ssyncset.done $0x0  }
0x17: {  	s16 =	simm.s32 $0x0;
	[sflag:s9] =	ssyncadd.s32 $0xFFFFFC18  }
0x18: {  	v1 =	vld [tilespmem:s16+$0x0];
	_ =	sdelay $0x1  }
0x19: {  	v0 =	vld [tilespmem:s16+$0x640];
	_ =	sdelay $0x2  }
0x1a: {  	v1 =	vmul.u32 $0x3E8, v1  }
0x1b: {  	s17 =	simm.s32 $0x10;
	s18 =	simm.s32 $0x80  }
.LBB2_2:
0x1c: {  	p0 =	sne.s32 s18, $0x18C0;
	v2 =	vld [tilespmem:s17+$0x0];
	v0 =	vadd.s32 v0, v1  }
0x1d: {  	[tilespmem:s16+$0x640] =	vst v0;
	s16 =	smov.u32 s17  }
.Ltmp0:
0x1e: {  	v0 =	vld [tilespmem:s16+$0x640];
	(pc) =	sbr.rel @p0 .LBB2_2-.Ltmp0, $3  }
0x1f: {  	_ =	sdelay $0x1  }
0x20: {  	v1 =	vmul.u32 $0x3E8, v2  }
0x21: {  	s17 =	sshra.s32 s18, $0x2;
	s18 =	sadd.s32 $0x40, s18  }
0x22: {  	v2 =	vld [tilespmem:s17+$0x0];
	v0 =	vadd.s32 v0, v1  }
0x23: {  	[tilespmem:s16+$0x640] =	vst v0  }
0x24: {  	v0 =	vld [tilespmem:s17+$0x640];
	_ =	sdelay $0x2  }
0x25: {  	v63 =	vmul.u32 $0x3E8, v2;
	_ =	sdelay $0x1  }
0x26: {  	v0 =	vadd.s32 v0, v63  }
0x27: {  	s30 =	simm.s32 $0xC80;
	s31 =	simm.s32 $0x640;
	[tilespmem:s17+$0x640] =	vst v0  }
0x28: {  	[tilespmem:s30], [sflag:$0x1] =	stream.indirect.gather [hbm4b:s3+s12], $0x1, s31, s12, $0xb8;
	[tilespmem:$0x16B8] =	vst v63  }
0x29: {  	s16 =	simm.s32 $0x0;
	s17 =	simm.s32 $0x140;
	_ =	swait.ge [sflag:s13], $0x50  }
.LBB2_4:
0x2a: {  	s18 =	sshra.s32 s17, $0x2  }
0x2b: {  	[sflag:s13] =	ssyncset.done $0x0;
	p0 =	sne.s32 s17, $0x17C0;
	s19 =	sadd.s32 $0xC80, s18  }
.Ltmp1:
0x2c: {  	s18 =	sadd.s32 $0x640, s18;
	[sflag:s13] =	ssyncadd.s32 $0xFFFFFFB0;
	(pc) =	sbr.rel @p0 .LBB2_4-.Ltmp1, $3  }
0x2d: {  	[tilespmem:s19], [sflag:$0x1] =	stream.indirect.gather [hbm4b:s3+s12], $0x1, s18, s12, $0xb8;
	[tilespmem:$0x16B8] =	vst v63  }
0x2e: {  	s17 =	sadd.s32 $0x140, s17;
	_ =	sdelay $0x1  }
0x2f: {  	_ =	swait.ge [sflag:s13], $0x50  }
0x30: {  	[sflag:s13] =	ssyncset.done $0x0  }
0x31: {  	[sflag:s13] =	ssyncadd.s32 $0xFFFFFFB0  }
0x32: {  	v2 =	vld [tilespmem:s16+$0x0];
	_ =	sdelay $0x6  }
0x33: {  	v1 =	vld [tilespmem:s16+$0xC80]  }
0x34: {  	v0 =	vimm.f32 $0.0e+00;
	s17 =	simm.s32 $0x80;
	s16 =	simm.s32 $0x10;
	v2 =	vld.idx.msk [tilespmem:v2+s11+$0x0], $0xffff  }
.LBB2_6:
0x35: {  	p0 =	sne.s32 s17, $0x18C0;
	v3 =	vld [tilespmem:s16+$0x0];
	_ =	sdelay $0x3  }
.Ltmp2:
0x36: {  	(pc) =	sbr.rel @p0 .LBB2_6-.Ltmp2, $3  }
0x37: {  	v2 =	vsub.f32 v2, v1;
	_ =	sdelay $0x1  }
0x38: {  	v0 =	vadd.f32 v2, v0;
	v1 =	vld [tilespmem:s16+$0xC80]  }
0x39: {  	s16 =	sshra.s32 s17, $0x2;
	s17 =	sadd.s32 $0x40, s17;
	v2 =	vld.idx.msk [tilespmem:v3+s11+$0x0], $0xffff  }
0x3a: {  	v3 =	vld [tilespmem:s16+$0x0];
	_ =	sdelay $0x6  }
0x3b: {  	v4 =	vld [tilespmem:s16+$0xC80]  }
0x3c: {  	v3 =	vld.idx.msk [tilespmem:v3+s11+$0x0], $0xffff;
	_ =	sdelay $0x2  }
0x3d: {  	v1 =	vsub.f32 v2, v1;
	_ =	sdelay $0x1  }
0x3e: {  	v0 =	vadd.f32 v1, v0;
	v63 =	vsub.f32 v3, v4;
	_ =	sdelay $0x1  }
0x3f: {  	s15 =	sadd.s32 $0x1, s15;
	v0 =	vadd.f32 v63, v0  }
0x40: {  	p0 =	sne.s32 s15, s8  }
.Ltmp3:
0x41: {  	[tilespmem:$0x16A8] =	vst v0;
	(pc) =	sbr.rel @p0 .LBB2_1-.Ltmp3, $4  }
0x42: {  	[hbm4b:s7+s2] =	stream.linear.scatter [tilespmem:s14], [sflag:$0x2], $0x10, $0x38;
	[tilespmem:$0x16B8] =	vst v63  }
0x43: {  	_ =	swait.ge [sflag:s9], $0x10  }
0x44: {  	[sflag:s9] =	ssyncset.done $0x0  }
0x45: {  	[sflag:s9] =	ssyncadd.s32 $0xFFFFFFF0  }
0x46: {  	_ =	sfence.sel $0x180000  }
0x47: {  	[bflag:$0x0] =	sbarrier.arrive $0xFFFF  }
0x48: {  	p0 =	sne.s32 s0, $0x0;
	_ =	strace $0x90000047  }
0x49: {  	s0 =	sadd.s32 @!p0 $0x100000, s1;
	[bflag:$0x2] =	sbarrier.arrive $0xFFFF  }
0x4a: {  	[sflag:s0] =	ssyncadd.tile.s32 @!p0 $0x1;
	_ =	shalt  }
.Lfunc_end2:
_tile_overlayer_lowered:
.L_overlay_start_2:
0x4b: {  	(tag) =	ssettag $0x2  }
0x4c: {  	s0 =	rddreg [dreg:$0x0];
	s2 =	stileid.u32  }
0x4d: {  	s1 =	rddreg [dreg:$0x1];
	p0 =	sne.s32 s2, $0x0  }
0x4e: {  	s3 =	rddreg [dreg:$0x2];
	[bflag:$0x3] =	sbarrier.arrive $0xFFFF;
	s2 =	simm.s32 @!p0 $0x1C02  }
0x4f: {  	[timem:s3], [sflag:s2] =	dma.local @!p0 [hbm:s0], s1  }
0x50: {  	s0 =	simm.s32 @!p0 $0x2  }
0x51: {  	_ =	swait.ge @!p0 [sflag:s0], s1  }
0x52: {  	s1 =	ssub.s32 @!p0 $0x0, s1;
	[sflag:s0] =	ssyncset.done @!p0 $0x0  }
0x53: {  	[sflag:s0] =	ssyncadd.s32 @!p0 s1  }
0x54: {  	[bflag:$0x3] =	sbarrier.arrive $0xFFFF  }
0x55: {  	_ =	shalt  }

</sc_bundles>
